<compile_context>
chip_gen: v7x
topology: tpu7x:2x2x1
jax: 0.10.2.dev20260603
libtpu: 0.0.44.dev20260713+nightly
codegen_flags: <defaults>
</compile_context>

<pallas_src>
import dataclasses
import functools

import jax
import jax.numpy as jnp
from jax.experimental import pallas as pl
from jax.experimental.pallas import tpu as pltpu
from jax.experimental.pallas import tpu_sc as plsc

_B, _H, _S, _D = 1, 16, 4096, 64
_QG, _KP = 32, 1024
_BM = _S // _QG
_GPB = 16
_BM2 = _BM * _GPB
_NG = _QG // _GPB
_SCALE = 1.0 / (_D ** 0.5)
_LOG2E = 1.4426950408889634


def _counts_sc(group_indices):
    mesh = plsc.VectorSubcoreMesh(core_axis_name="c", subcore_axis_name="s")
    cp = pltpu.CompilerParams()
    if "needs_layout_passes" in pltpu.CompilerParams.__dataclass_fields__:
        cp = dataclasses.replace(cp, needs_layout_passes=False)

    @functools.partial(
        pl.kernel,
        mesh=mesh,
        compiler_params=cp,
        out_type=jax.ShapeDtypeStruct((_QG * _S,), jnp.float32),
        scratch_types=[
            pltpu.VMEM((_KP,), jnp.int32),
            pltpu.VMEM((_S,), jnp.float32),
            pltpu.SemaphoreType.DMA,
        ],
    )
    def counts_kernel(idx_hbm, out_hbm, idx_v, acc_v, sem):
        cid = jax.lax.axis_index("c")
        sid = jax.lax.axis_index("s")
        g = sid * 2 + cid
        pltpu.async_copy(idx_hbm.at[pl.ds(g * _KP, _KP)], idx_v, sem).wait()

        zeros = jnp.zeros((16,), jnp.float32)

        @pl.loop(0, _S, step=16)
        def _(i):
            acc_v[pl.ds(i, 16)] = zeros

        ones = jnp.ones((16,), jnp.float32)

        @pl.loop(0, _KP, step=16)
        def _(j):
            iv = idx_v[pl.ds(j, 16)]
            plsc.addupdate_scatter(acc_v, [iv], ones)

        pltpu.async_copy(acc_v, out_hbm.at[pl.ds(g * _S, _S)], sem).wait()

    return counts_kernel(group_indices.reshape(_QG * _KP))


_QPRE = _SCALE * _LOG2E


def _attn_body(c_ref, q_ref, k_ref, v_ref, o_ref, kb_ref, vb_ref):
    @pl.when(pl.program_id(1) == 0)
    def _():
        kb_ref[...] = k_ref[0].astype(jnp.bfloat16)
        vb_ref[...] = jnp.concatenate(
            [v_ref[0].astype(jnp.bfloat16),
             jnp.ones((_S, 1), jnp.bfloat16),
             jnp.zeros((_S, 7), jnp.bfloat16)], axis=1)

    q = (q_ref[0] * _QPRE).astype(jnp.bfloat16)
    s = jax.lax.dot_general(q, kb_ref[...], (((1,), (1,)), ((), ())),
                            preferred_element_type=jnp.float32)
    e = jnp.exp2(s)
    p = jnp.concatenate(
        [e[g * _BM:(g + 1) * _BM] * c_ref[g:g + 1] for g in range(_GPB)],
        axis=0).astype(jnp.bfloat16)
    r = jax.lax.dot_general(p, vb_ref[...], (((1,), (0,)), ((), ())),
                            preferred_element_type=jnp.float32)
    o_ref[0] = r[:, :_D] / r[:, _D:_D + 1]


def _attn(counts, q, k, v):
    return pl.pallas_call(
        _attn_body,
        grid=(_H, _NG),
        in_specs=[
            pl.BlockSpec((_GPB, _S), lambda h, g: (g, 0)),
            pl.BlockSpec((1, _BM2, _D), lambda h, g: (h * _NG + g, 0, 0)),
            pl.BlockSpec((1, _S, _D), lambda h, g: (h, 0, 0)),
            pl.BlockSpec((1, _S, _D), lambda h, g: (h, 0, 0)),
        ],
        out_specs=pl.BlockSpec((1, _BM2, _D), lambda h, g: (h * _NG + g, 0, 0)),
        out_shape=jax.ShapeDtypeStruct((_H * _NG, _BM2, _D), jnp.float32),
        scratch_shapes=[
            pltpu.VMEM((_S, _D), jnp.bfloat16),
            pltpu.VMEM((_S, _D + 8), jnp.bfloat16),
        ],
        compiler_params=pltpu.CompilerParams(
            dimension_semantics=("parallel", "arbitrary")),
    )(counts, q, k, v)


def kernel(q, k, v, group_indices):
    counts = _counts_sc(group_indices).reshape(_QG, _S)
    qr = q.reshape(_H * _NG, _BM2, _D)
    kr = k.reshape(_H, _S, _D)
    vr = v.reshape(_H, _S, _D)
    o = _attn(counts, qr, kr, vr)
    return o.reshape(_B, _H, _S, _D)

# --- scband reference (transcript-rebuilt; emitter-appended) ---
"""Pipeline reference for scband-sparse-diff-attn-38379827757164 (READ-ONLY COPY).

The authoritative reference and input builder live on the scoring server;
editing this copy changes nothing except your own understanding.
"""

import jax, jax.numpy as jnp
import numpy as np


def setup_inputs(seed: int = 0) -> dict:
    key = jax.random.key(seed)
    kq, kk, kv, ki = jax.random.split(key, 4)
    B, H, S, D = 1, 16, 4096, 64
    QG, KP = 32, 1024
    q = jax.random.normal(kq, (B, H, S, D), dtype=jnp.float32)
    k = jax.random.normal(kk, (B, H, S, D), dtype=jnp.float32)
    v = jax.random.normal(kv, (B, H, S, D), dtype=jnp.float32)
    # per-query-group sparse KV column indices (aggregated, sorted, padded)
    group_indices = jnp.sort(jax.random.randint(ki, (QG, KP), 0, S), axis=-1)
    return {"q": q, "k": k, "v": v, "group_indices": group_indices}


def reference(q, k, v, group_indices):
    # Block-sparse attention: queries are grouped into QG blocks of size bm;
    # each group attends only to the KV columns listed in group_indices[g].
    # This mirrors aggregate_group_indices + per-group gathered SDPA in SparseDiffAttn.
    B, H, S, D = q.shape
    QG, KP = group_indices.shape
    bm = S // QG
    qg = q.reshape(B, H, QG, bm, D)
    # gather sparse KV per group: [B, H, QG, KP, D]
    kg = jnp.take(k, group_indices, axis=2)
    vg = jnp.take(v, group_indices, axis=2)
    scale = 1.0 / jnp.sqrt(jnp.asarray(D, dtype=jnp.float32))
    scores = jnp.einsum('bhgqd,bhgkd->bhgqk', qg, kg) * scale
    attn = jax.nn.softmax(scores, axis=-1)
    out = jnp.einsum('bhgqk,bhgkd->bhgqd', attn, vg)
    return out.reshape(B, H, S, D)

if __name__ == "__main__":
    import jax
    _d = setup_inputs()
    print(jax.jit(kernel)(*tuple(_d.values())))

</pallas_src>

<mosaic_0001>
#map = affine_map<(d0, d1) -> (0)>
module attributes {stable_mosaic.version = 14 : i64} {
  func.func @counts_kernel(%arg0: i32, %arg1: i32, %arg2: memref<32768xi32, #tpu.memory_space<hbm>>, %arg3: memref<131072xf32, #tpu.memory_space<hbm>>, %arg4: memref<1024xi32, #tpu.memory_space<vmem>>, %arg5: memref<4096xf32, #tpu.memory_space<vmem>>, %arg6: memref<!tpu.dma_semaphore, #tpu.memory_space<semaphore_mem>>) attributes {dimension_semantics = [#tpu.dimension_semantics<core_parallel>, #tpu.dimension_semantics<subcore_parallel>], iteration_bounds = array<i64: 2, 16>, scalar_prefetch = 0 : i64, scratch_operands = 3 : i64, tpu.core_type = #tpu.core_type<sc_vector_subcore>, window_params = [{transform_indices = #map}, {transform_indices = #map}]} {
    %mul3A = arith.constant 2 : i32
    %mul3A_0 = arith.muli %arg1, %mul3A : i32
    %add3A = arith.addi %mul3A_0, %arg0 : i32
    %mul3A_1 = arith.constant 1024 : i32
    %mul3A_2 = arith.muli %add3A, %mul3A_1 : i32
    %dma_start3A = tpu.memref_slice %arg2[%mul3A_2] : memref<32768xi32, #tpu.memory_space<hbm>> -> memref<1024xi32, #tpu.memory_space<hbm>>
    %dma_start3A_3 = tpu.memref_slice %arg2[%mul3A_2] : memref<32768xi32, #tpu.memory_space<hbm>> -> memref<1024xi32, #tpu.memory_space<hbm>>
    tpu.enqueue_dma source(%dma_start3A_3 : memref<1024xi32, #tpu.memory_space<hbm>>) target(%arg4 : memref<1024xi32, #tpu.memory_space<vmem>>) target_semaphore(%arg6 : memref<!tpu.dma_semaphore, #tpu.memory_space<semaphore_mem>>)
    %dma_wait3A = tpu.memref_slice %arg2[%mul3A_2] : memref<32768xi32, #tpu.memory_space<hbm>> -> memref<1024xi32, #tpu.memory_space<hbm>>
    %dma_wait3A_4 = tpu.memref_slice %arg2[%mul3A_2] : memref<32768xi32, #tpu.memory_space<hbm>> -> memref<1024xi32, #tpu.memory_space<hbm>>
    tpu.wait_dma2 semaphore(%arg6 : memref<!tpu.dma_semaphore, #tpu.memory_space<semaphore_mem>>) src(%dma_wait3A_4 : memref<1024xi32, #tpu.memory_space<hbm>>) dst(%arg4 : memref<1024xi32, #tpu.memory_space<vmem>>)
    %broadcast_in_dim3A = arith.constant 0.000000e+00 : f32
    %broadcast_in_dim3A_5 = vector.broadcast %broadcast_in_dim3A : f32 to vector<16xf32>
    %scan3A = arith.constant 0 : i32
    %scan3A_6 = arith.constant 256 : i32
    %scan3A_7 = arith.addi %scan3A, %scan3A_6 : i32
    %scan3A_8 = arith.constant 1 : i32
    scf.for %scan3A_23 = %scan3A to %scan3A_7 step %scan3A_8  : i32 {
      %mul3A_24 = arith.constant 16 : i32
      %mul3A_25 = arith.muli %scan3A_23, %mul3A_24 : i32
      %add3A_26 = arith.constant 0 : i32
      %add3A_27 = arith.addi %add3A_26, %mul3A_25 : i32
      %swap3A = arith.index_cast %add3A_27 : i32 to index
      %swap3A_28 = tpu.vector_load %arg5[%swap3A] {strides = array<i32>} : memref<4096xf32, #tpu.memory_space<vmem>>, vector<16xf32>,
      tpu.vector_store %arg5[%swap3A], %broadcast_in_dim3A_5 {strides = array<i32>} : memref<4096xf32, #tpu.memory_space<vmem>>, vector<16xf32>,
    }
    %scan3A_9 = arith.constant 256 : i32
    %broadcast_in_dim3A_10 = arith.constant 1.000000e+00 : f32
    %broadcast_in_dim3A_11 = vector.broadcast %broadcast_in_dim3A_10 : f32 to vector<16xf32>
    %scan3A_12 = arith.constant 0 : i32
    %scan3A_13 = arith.constant 64 : i32
    %scan3A_14 = arith.addi %scan3A_12, %scan3A_13 : i32
    %scan3A_15 = arith.constant 1 : i32
    scf.for %scan3A_23 = %scan3A_12 to %scan3A_14 step %scan3A_15  : i32 {
      %mul3A_24 = arith.constant 16 : i32
      %mul3A_25 = arith.muli %scan3A_23, %mul3A_24 : i32
      %add3A_26 = arith.constant 0 : i32
      %add3A_27 = arith.addi %add3A_26, %mul3A_25 : i32
      %get3A = arith.index_cast %add3A_27 : i32 to index
      %get3A_28 = tpu.vector_load %arg4[%get3A] {strides = array<i32>} : memref<1024xi32, #tpu.memory_space<vmem>>, vector<16xi32>,
      tpu.vector_store_idx %arg5[%get3A_28], %broadcast_in_dim3A_11 {add = true} : memref<4096xf32, #tpu.memory_space<vmem>>[vector<16xi32>], vector<16xf32>,
    }
    %scan3A_16 = arith.constant 64 : i32
    %mul3A_17 = arith.constant 4096 : i32
    %mul3A_18 = arith.muli %add3A, %mul3A_17 : i32
    %dma_start3A_19 = tpu.memref_slice %arg3[%mul3A_18] : memref<131072xf32, #tpu.memory_space<hbm>> -> memref<4096xf32, #tpu.memory_space<hbm>>
    %dma_start3A_20 = tpu.memref_slice %arg3[%mul3A_18] : memref<131072xf32, #tpu.memory_space<hbm>> -> memref<4096xf32, #tpu.memory_space<hbm>>
    tpu.enqueue_dma source(%arg5 : memref<4096xf32, #tpu.memory_space<vmem>>) target(%dma_start3A_20 : memref<4096xf32, #tpu.memory_space<hbm>>) target_semaphore(%arg6 : memref<!tpu.dma_semaphore, #tpu.memory_space<semaphore_mem>>)
    %dma_wait3A_21 = tpu.memref_slice %arg3[%mul3A_18] : memref<131072xf32, #tpu.memory_space<hbm>> -> memref<4096xf32, #tpu.memory_space<hbm>>
    %dma_wait3A_22 = tpu.memref_slice %arg3[%mul3A_18] : memref<131072xf32, #tpu.memory_space<hbm>> -> memref<4096xf32, #tpu.memory_space<hbm>>
    tpu.wait_dma2 semaphore(%arg6 : memref<!tpu.dma_semaphore, #tpu.memory_space<semaphore_mem>>) src(%arg5 : memref<4096xf32, #tpu.memory_space<vmem>>) dst(%dma_wait3A_22 : memref<4096xf32, #tpu.memory_space<hbm>>)
    return
  }
}

module attributes {stable_mosaic.version = 14 : i64} {
  func.func @_attn_body(%arg0: i32, %arg1: i32, %arg2: memref<16x4096xf32, #tpu.memory_space<vmem>>, %arg3: memref<1x2048x64xf32, #tpu.memory_space<vmem>>, %arg4: memref<1x4096x64xf32, #tpu.memory_space<vmem>>, %arg5: memref<1x4096x64xf32, #tpu.memory_space<vmem>>, %arg6: memref<1x2048x64xf32, #tpu.memory_space<vmem>>, %arg7: memref<4096x64xbf16, #tpu.memory_space<vmem>>, %arg8: memref<4096x72xbf16, #tpu.memory_space<vmem>>) attributes {dimension_semantics = [#tpu.dimension_semantics<parallel>, #tpu.dimension_semantics<arbitrary>], iteration_bounds = array<i64: 16, 2>, scalar_prefetch = 0 : i64, scratch_operands = 2 : i64, tpu.core_type = #tpu.core_type<tc>, window_params = [{transform_indices = @transform_0, window_bounds = array<i64: 16, 4096>}, {transform_indices = @transform_1, window_bounds = array<i64: 1, 2048, 64>}, {transform_indices = @transform_2, window_bounds = array<i64: 1, 4096, 64>}, {transform_indices = @transform_3, window_bounds = array<i64: 1, 4096, 64>}, {transform_indices = @transform_4, window_bounds = array<i64: 1, 2048, 64>}]} {
    %eq3A = arith.constant 0 : i32
    %eq3A_0 = arith.cmpi eq, %arg1, %eq3A : i32
    %convert_element_type3A = arith.extui %eq3A_0 : i1 to i32
    %cond3A = arith.constant 0 : i32
    %cond3A_1 = arith.cmpi ne, %convert_element_type3A, %cond3A : i32
    scf.if %cond3A_1 {
      %get3A_122 = arith.constant 0 : index
      %get3A_123 = arith.constant 0 : index
      %get3A_124 = arith.constant 0 : index
      %get3A_125 = vector.load %arg4[%get3A_122, %get3A_123, %get3A_124] : memref<1x4096x64xf32, #tpu.memory_space<vmem>>, vector<1x4096x64xf32>
      %get3A_126 = vector.shape_cast %get3A_125 : vector<1x4096x64xf32> to vector<4096x64xf32>
      %convert_element_type3A_127 = arith.truncf %get3A_126 : vector<4096x64xf32> to vector<4096x64xbf16>
      %swap3A_128 = arith.constant 0 : index
      %swap3A_129 = arith.constant 0 : index
      %swap3A_130 = vector.load %arg7[%swap3A_128, %swap3A_129] : memref<4096x64xbf16, #tpu.memory_space<vmem>>, vector<4096x64xbf16>
      tpu.vector_store %arg7[%swap3A_128, %swap3A_129], %convert_element_type3A_127 {strides = array<i32>} : memref<4096x64xbf16, #tpu.memory_space<vmem>>, vector<4096x64xbf16>,
      %get3A_131 = arith.constant 0 : index
      %get3A_132 = arith.constant 0 : index
      %get3A_133 = arith.constant 0 : index
      %get3A_134 = vector.load %arg5[%get3A_131, %get3A_132, %get3A_133] : memref<1x4096x64xf32, #tpu.memory_space<vmem>>, vector<1x4096x64xf32>
      %get3A_135 = vector.shape_cast %get3A_134 : vector<1x4096x64xf32> to vector<4096x64xf32>
      %convert_element_type3A_136 = arith.truncf %get3A_135 : vector<4096x64xf32> to vector<4096x64xbf16>
      %broadcast_in_dim3A = arith.constant 1.000000e+00 : bf16
      %broadcast_in_dim3A_137 = vector.broadcast %broadcast_in_dim3A : bf16 to vector<4096x1xbf16>
      %broadcast_in_dim3A_138 = arith.constant 0.000000e+00 : bf16
      %broadcast_in_dim3A_139 = vector.broadcast %broadcast_in_dim3A_138 : bf16 to vector<4096x7xbf16>
      %concatenate3A_140 = tpu.concatenate %convert_element_type3A_136, %broadcast_in_dim3A_137, %broadcast_in_dim3A_139 in 1 : vector<4096x64xbf16>, vector<4096x1xbf16>, vector<4096x7xbf16> -> vector<4096x72xbf16>
      %swap3A_141 = arith.constant 0 : index
      %swap3A_142 = arith.constant 0 : index
      %swap3A_143 = vector.load %arg8[%swap3A_141, %swap3A_142] : memref<4096x72xbf16, #tpu.memory_space<vmem>>, vector<4096x72xbf16>
      tpu.vector_store %arg8[%swap3A_141, %swap3A_142], %concatenate3A_140 {strides = array<i32>} : memref<4096x72xbf16, #tpu.memory_space<vmem>>, vector<4096x72xbf16>,
    } else {
    }
    %get3A = arith.constant 0 : index
    %get3A_2 = arith.constant 0 : index
    %get3A_3 = arith.constant 0 : index
    %get3A_4 = vector.load %arg3[%get3A, %get3A_2, %get3A_3] : memref<1x2048x64xf32, #tpu.memory_space<vmem>>, vector<1x2048x64xf32>
    %get3A_5 = vector.shape_cast %get3A_4 : vector<1x2048x64xf32> to vector<2048x64xf32>
    %mul3A = arith.constant 0.180336878 : f32
    %mul3A_6 = vector.broadcast %mul3A : f32 to vector<2048x64xf32>
    %mul3A_7 = arith.mulf %get3A_5, %mul3A_6 : vector<2048x64xf32>
    %convert_element_type3A_8 = arith.truncf %mul3A_7 : vector<2048x64xf32> to vector<2048x64xbf16>
    %get3A_9 = arith.constant 0 : index
    %get3A_10 = arith.constant 0 : index
    %get3A_11 = vector.load %arg7[%get3A_9, %get3A_10] : memref<4096x64xbf16, #tpu.memory_space<vmem>>, vector<4096x64xbf16>
    %dot_general3A = arith.constant dense<0.000000e+00> : vector<2048x4096xf32>
    %dot_general3A_12 = tpu.matmul %convert_element_type3A_8, %get3A_11, %dot_general3A {dimension_numbers = #tpu.dot_dimension_numbers<[1], [1], [0], [0], [0, 0, 1, 0], [], []>, transpose_lhs_hint = false} : vector<2048x64xbf16>, vector<4096x64xbf16>, vector<2048x4096xf32> -> vector<2048x4096xf32>
    %exp23A = math.exp2 %dot_general3A_12 : vector<2048x4096xf32>
    %slice3A = vector.extract_strided_slice %exp23A {offsets = [0, 0], sizes = [128, 4096], strides = [1, 1]} : vector<2048x4096xf32> to vector<128x4096xf32>
    %get3A_13 = arith.constant 0 : index
    %get3A_14 = arith.constant 0 : index
    %get3A_15 = vector.load %arg2[%get3A_13, %get3A_14] : memref<16x4096xf32, #tpu.memory_space<vmem>>, vector<1x4096xf32>
    %mul3A_16 = vector.broadcast %get3A_15 : vector<1x4096xf32> to vector<128x4096xf32>
    %mul3A_17 = arith.mulf %slice3A, %mul3A_16 : vector<128x4096xf32>
    %slice3A_18 = vector.extract_strided_slice %exp23A {offsets = [128, 0], sizes = [128, 4096], strides = [1, 1]} : vector<2048x4096xf32> to vector<128x4096xf32>
    %get3A_19 = arith.constant 1 : index
    %get3A_20 = arith.constant 0 : index
    %get3A_21 = vector.load %arg2[%get3A_19, %get3A_20] : memref<16x4096xf32, #tpu.memory_space<vmem>>, vector<1x4096xf32>
    %mul3A_22 = vector.broadcast %get3A_21 : vector<1x4096xf32> to vector<128x4096xf32>
    %mul3A_23 = arith.mulf %slice3A_18, %mul3A_22 : vector<128x4096xf32>
    %slice3A_24 = vector.extract_strided_slice %exp23A {offsets = [256, 0], sizes = [128, 4096], strides = [1, 1]} : vector<2048x4096xf32> to vector<128x4096xf32>
    %get3A_25 = arith.constant 2 : index
    %get3A_26 = arith.constant 0 : index
    %get3A_27 = vector.load %arg2[%get3A_25, %get3A_26] : memref<16x4096xf32, #tpu.memory_space<vmem>>, vector<1x4096xf32>
    %mul3A_28 = vector.broadcast %get3A_27 : vector<1x4096xf32> to vector<128x4096xf32>
    %mul3A_29 = arith.mulf %slice3A_24, %mul3A_28 : vector<128x4096xf32>
    %slice3A_30 = vector.extract_strided_slice %exp23A {offsets = [384, 0], sizes = [128, 4096], strides = [1, 1]} : vector<2048x4096xf32> to vector<128x4096xf32>
    %get3A_31 = arith.constant 3 : index
    %get3A_32 = arith.constant 0 : index
    %get3A_33 = vector.load %arg2[%get3A_31, %get3A_32] : memref<16x4096xf32, #tpu.memory_space<vmem>>, vector<1x4096xf32>
    %mul3A_34 = vector.broadcast %get3A_33 : vector<1x4096xf32> to vector<128x4096xf32>
    %mul3A_35 = arith.mulf %slice3A_30, %mul3A_34 : vector<128x4096xf32>
    %slice3A_36 = vector.extract_strided_slice %exp23A {offsets = [512, 0], sizes = [128, 4096], strides = [1, 1]} : vector<2048x4096xf32> to vector<128x4096xf32>
    %get3A_37 = arith.constant 4 : index
    %get3A_38 = arith.constant 0 : index
    %get3A_39 = vector.load %arg2[%get3A_37, %get3A_38] : memref<16x4096xf32, #tpu.memory_space<vmem>>, vector<1x4096xf32>
    %mul3A_40 = vector.broadcast %get3A_39 : vector<1x4096xf32> to vector<128x4096xf32>
    %mul3A_41 = arith.mulf %slice3A_36, %mul3A_40 : vector<128x4096xf32>
    %slice3A_42 = vector.extract_strided_slice %exp23A {offsets = [640, 0], sizes = [128, 4096], strides = [1, 1]} : vector<2048x4096xf32> to vector<128x4096xf32>
    %get3A_43 = arith.constant 5 : index
    %get3A_44 = arith.constant 0 : index
    %get3A_45 = vector.load %arg2[%get3A_43, %get3A_44] : memref<16x4096xf32, #tpu.memory_space<vmem>>, vector<1x4096xf32>
    %mul3A_46 = vector.broadcast %get3A_45 : vector<1x4096xf32> to vector<128x4096xf32>
    %mul3A_47 = arith.mulf %slice3A_42, %mul3A_46 : vector<128x4096xf32>
    %slice3A_48 = vector.extract_strided_slice %exp23A {offsets = [768, 0], sizes = [128, 4096], strides = [1, 1]} : vector<2048x4096xf32> to vector<128x4096xf32>
    %get3A_49 = arith.constant 6 : index
    %get3A_50 = arith.constant 0 : index
    %get3A_51 = vector.load %arg2[%get3A_49, %get3A_50] : memref<16x4096xf32, #tpu.memory_space<vmem>>, vector<1x4096xf32>
    %mul3A_52 = vector.broadcast %get3A_51 : vector<1x4096xf32> to vector<128x4096xf32>
    %mul3A_53 = arith.mulf %slice3A_48, %mul3A_52 : vector<128x4096xf32>
    %slice3A_54 = vector.extract_strided_slice %exp23A {offsets = [896, 0], sizes = [128, 4096], strides = [1, 1]} : vector<2048x4096xf32> to vector<128x4096xf32>
    %get3A_55 = arith.constant 7 : index
    %get3A_56 = arith.constant 0 : index
    %get3A_57 = vector.load %arg2[%get3A_55, %get3A_56] : memref<16x4096xf32, #tpu.memory_space<vmem>>, vector<1x4096xf32>
    %mul3A_58 = vector.broadcast %get3A_57 : vector<1x4096xf32> to vector<128x4096xf32>
    %mul3A_59 = arith.mulf %slice3A_54, %mul3A_58 : vector<128x4096xf32>
    %slice3A_60 = vector.extract_strided_slice %exp23A {offsets = [1024, 0], sizes = [128, 4096], strides = [1, 1]} : vector<2048x4096xf32> to vector<128x4096xf32>
    %get3A_61 = arith.constant 8 : index
    %get3A_62 = arith.constant 0 : index
    %get3A_63 = vector.load %arg2[%get3A_61, %get3A_62] : memref<16x4096xf32, #tpu.memory_space<vmem>>, vector<1x4096xf32>
    %mul3A_64 = vector.broadcast %get3A_63 : vector<1x4096xf32> to vector<128x4096xf32>
    %mul3A_65 = arith.mulf %slice3A_60, %mul3A_64 : vector<128x4096xf32>
    %slice3A_66 = vector.extract_strided_slice %exp23A {offsets = [1152, 0], sizes = [128, 4096], strides = [1, 1]} : vector<2048x4096xf32> to vector<128x4096xf32>
    %get3A_67 = arith.constant 9 : index
    %get3A_68 = arith.constant 0 : index
    %get3A_69 = vector.load %arg2[%get3A_67, %get3A_68] : memref<16x4096xf32, #tpu.memory_space<vmem>>, vector<1x4096xf32>
    %mul3A_70 = vector.broadcast %get3A_69 : vector<1x4096xf32> to vector<128x4096xf32>
    %mul3A_71 = arith.mulf %slice3A_66, %mul3A_70 : vector<128x4096xf32>
    %slice3A_72 = vector.extract_strided_slice %exp23A {offsets = [1280, 0], sizes = [128, 4096], strides = [1, 1]} : vector<2048x4096xf32> to vector<128x4096xf32>
    %get3A_73 = arith.constant 10 : index
    %get3A_74 = arith.constant 0 : index
    %get3A_75 = vector.load %arg2[%get3A_73, %get3A_74] : memref<16x4096xf32, #tpu.memory_space<vmem>>, vector<1x4096xf32>
    %mul3A_76 = vector.broadcast %get3A_75 : vector<1x4096xf32> to vector<128x4096xf32>
    %mul3A_77 = arith.mulf %slice3A_72, %mul3A_76 : vector<128x4096xf32>
    %slice3A_78 = vector.extract_strided_slice %exp23A {offsets = [1408, 0], sizes = [128, 4096], strides = [1, 1]} : vector<2048x4096xf32> to vector<128x4096xf32>
    %get3A_79 = arith.constant 11 : index
    %get3A_80 = arith.constant 0 : index
    %get3A_81 = vector.load %arg2[%get3A_79, %get3A_80] : memref<16x4096xf32, #tpu.memory_space<vmem>>, vector<1x4096xf32>
    %mul3A_82 = vector.broadcast %get3A_81 : vector<1x4096xf32> to vector<128x4096xf32>
    %mul3A_83 = arith.mulf %slice3A_78, %mul3A_82 : vector<128x4096xf32>
    %slice3A_84 = vector.extract_strided_slice %exp23A {offsets = [1536, 0], sizes = [128, 4096], strides = [1, 1]} : vector<2048x4096xf32> to vector<128x4096xf32>
    %get3A_85 = arith.constant 12 : index
    %get3A_86 = arith.constant 0 : index
    %get3A_87 = vector.load %arg2[%get3A_85, %get3A_86] : memref<16x4096xf32, #tpu.memory_space<vmem>>, vector<1x4096xf32>
    %mul3A_88 = vector.broadcast %get3A_87 : vector<1x4096xf32> to vector<128x4096xf32>
    %mul3A_89 = arith.mulf %slice3A_84, %mul3A_88 : vector<128x4096xf32>
    %slice3A_90 = vector.extract_strided_slice %exp23A {offsets = [1664, 0], sizes = [128, 4096], strides = [1, 1]} : vector<2048x4096xf32> to vector<128x4096xf32>
    %get3A_91 = arith.constant 13 : index
    %get3A_92 = arith.constant 0 : index
    %get3A_93 = vector.load %arg2[%get3A_91, %get3A_92] : memref<16x4096xf32, #tpu.memory_space<vmem>>, vector<1x4096xf32>
    %mul3A_94 = vector.broadcast %get3A_93 : vector<1x4096xf32> to vector<128x4096xf32>
    %mul3A_95 = arith.mulf %slice3A_90, %mul3A_94 : vector<128x4096xf32>
    %slice3A_96 = vector.extract_strided_slice %exp23A {offsets = [1792, 0], sizes = [128, 4096], strides = [1, 1]} : vector<2048x4096xf32> to vector<128x4096xf32>
    %get3A_97 = arith.constant 14 : index
    %get3A_98 = arith.constant 0 : index
    %get3A_99 = vector.load %arg2[%get3A_97, %get3A_98] : memref<16x4096xf32, #tpu.memory_space<vmem>>, vector<1x4096xf32>
    %mul3A_100 = vector.broadcast %get3A_99 : vector<1x4096xf32> to vector<128x4096xf32>
    %mul3A_101 = arith.mulf %slice3A_96, %mul3A_100 : vector<128x4096xf32>
    %slice3A_102 = vector.extract_strided_slice %exp23A {offsets = [1920, 0], sizes = [128, 4096], strides = [1, 1]} : vector<2048x4096xf32> to vector<128x4096xf32>
    %get3A_103 = arith.constant 15 : index
    %get3A_104 = arith.constant 0 : index
    %get3A_105 = vector.load %arg2[%get3A_103, %get3A_104] : memref<16x4096xf32, #tpu.memory_space<vmem>>, vector<1x4096xf32>
    %mul3A_106 = vector.broadcast %get3A_105 : vector<1x4096xf32> to vector<128x4096xf32>
    %mul3A_107 = arith.mulf %slice3A_102, %mul3A_106 : vector<128x4096xf32>
    %concatenate3A = tpu.concatenate %mul3A_17, %mul3A_23, %mul3A_29, %mul3A_35, %mul3A_41, %mul3A_47, %mul3A_53, %mul3A_59, %mul3A_65, %mul3A_71, %mul3A_77, %mul3A_83, %mul3A_89, %mul3A_95, %mul3A_101, %mul3A_107 in 0 : vector<128x4096xf32>, vector<128x4096xf32>, vector<128x4096xf32>, vector<128x4096xf32>, vector<128x4096xf32>, vector<128x4096xf32>, vector<128x4096xf32>, vector<128x4096xf32>, vector<128x4096xf32>, vector<128x4096xf32>, vector<128x4096xf32>, vector<128x4096xf32>, vector<128x4096xf32>, vector<128x4096xf32>, vector<128x4096xf32>, vector<128x4096xf32> -> vector<2048x4096xf32>
    %convert_element_type3A_108 = arith.truncf %concatenate3A : vector<2048x4096xf32> to vector<2048x4096xbf16>
    %get3A_109 = arith.constant 0 : index
    %get3A_110 = arith.constant 0 : index
    %get3A_111 = vector.load %arg8[%get3A_109, %get3A_110] : memref<4096x72xbf16, #tpu.memory_space<vmem>>, vector<4096x72xbf16>
    %dot_general3A_112 = arith.constant dense<0.000000e+00> : vector<2048x72xf32>
    %dot_general3A_113 = tpu.matmul %convert_element_type3A_108, %get3A_111, %dot_general3A_112 {dimension_numbers = #tpu.dot_dimension_numbers<[1], [0], [0], [1], [0, 0, 1, 1], [], []>, transpose_lhs_hint = false} : vector<2048x4096xbf16>, vector<4096x72xbf16>, vector<2048x72xf32> -> vector<2048x72xf32>
    %slice3A_114 = vector.extract_strided_slice %dot_general3A_113 {offsets = [0, 0], sizes = [2048, 64], strides = [1, 1]} : vector<2048x72xf32> to vector<2048x64xf32>
    %slice3A_115 = vector.extract_strided_slice %dot_general3A_113 {offsets = [0, 64], sizes = [2048, 1], strides = [1, 1]} : vector<2048x72xf32> to vector<2048x1xf32>
    %div3A = vector.broadcast %slice3A_115 : vector<2048x1xf32> to vector<2048x64xf32>
    %div3A_116 = arith.divf %slice3A_114, %div3A : vector<2048x64xf32>
    %swap3A = arith.constant 0 : index
    %swap3A_117 = arith.constant 0 : index
    %swap3A_118 = arith.constant 0 : index
    %swap3A_119 = vector.load %arg6[%swap3A, %swap3A_117, %swap3A_118] : memref<1x2048x64xf32, #tpu.memory_space<vmem>>, vector<1x2048x64xf32>
    %swap3A_120 = vector.shape_cast %swap3A_119 : vector<1x2048x64xf32> to vector<2048x64xf32>
    %swap3A_121 = vector.shape_cast %div3A_116 : vector<2048x64xf32> to vector<1x2048x64xf32>
    tpu.vector_store %arg6[%swap3A, %swap3A_117, %swap3A_118], %swap3A_121 {strides = array<i32>} : memref<1x2048x64xf32, #tpu.memory_space<vmem>>, vector<1x2048x64xf32>,
    return
  }
  func.func @transform_0(%arg0: i32, %arg1: i32) -> (i32, i32) {
    %c0_i32 = arith.constant 0 : i32
    %c0_i32_0 = arith.constant 0 : i32
    return %arg1, %c0_i32 : i32, i32
  }
  func.func @transform_1(%arg0: i32, %arg1: i32) -> (i32, i32, i32) {
    %mul3A = arith.constant 2 : i32
    %mul3A_0 = arith.muli %arg0, %mul3A : i32
    %add3A = arith.addi %mul3A_0, %arg1 : i32
    %c0_i32 = arith.constant 0 : i32
    %c0_i32_1 = arith.constant 0 : i32
    %c0_i32_2 = arith.constant 0 : i32
    return %add3A, %c0_i32, %c0_i32_1 : i32, i32, i32
  }
  func.func @transform_2(%arg0: i32, %arg1: i32) -> (i32, i32, i32) {
    %c0_i32 = arith.constant 0 : i32
    %c0_i32_0 = arith.constant 0 : i32
    %c0_i32_1 = arith.constant 0 : i32
    return %arg0, %c0_i32, %c0_i32_0 : i32, i32, i32
  }
  func.func @transform_3(%arg0: i32, %arg1: i32) -> (i32, i32, i32) {
    %c0_i32 = arith.constant 0 : i32
    %c0_i32_0 = arith.constant 0 : i32
    %c0_i32_1 = arith.constant 0 : i32
    return %arg0, %c0_i32, %c0_i32_0 : i32, i32, i32
  }
  func.func @transform_4(%arg0: i32, %arg1: i32) -> (i32, i32, i32) {
    %mul3A = arith.constant 2 : i32
    %mul3A_0 = arith.muli %arg0, %mul3A : i32
    %add3A = arith.addi %mul3A_0, %arg1 : i32
    %c0_i32 = arith.constant 0 : i32
    %c0_i32_1 = arith.constant 0 : i32
    %c0_i32_2 = arith.constant 0 : i32
    return %add3A, %c0_i32, %c0_i32_1 : i32, i32, i32
  }
}

</mosaic_0001>

<sc_bundles>
// kernel: kernel.4.cloned.1.call-start
scs
__scs_entry_jumppad:
0x0: {  	(pc) =	sbr.rel $0x88, $3  }
0x1: {  	(tag) =	ssettag $0x0;
	lr =	simm.s32 $0x1  }
0x2: {  	[smem:$0x3F9D] =	sst lr;
	_ =	strace $0xD0000000  }
0x3: {  	_ = 	snop  }
0x4: {  	_ = 	snop  }
0x5: {  	_ = 	snop  }
0x6: {  	_ = 	snop  }
0x7: {  	_ = 	snop  }
__scs_overlays_trampoline_lowered:
0x8: {  	[smem:$0x3FAC] =	sst s0  }
0x9: {  	[smem:$0x3FAD] =	sst s1  }
0xa: {  	[smem:$0x3FAE] =	sst s2  }
0xb: {  	[smem:$0x3FAF] =	sst s3  }
0xc: {  	[smem:$0x3FB0] =	sst s4  }
0xd: {  	[smem:$0x3FB1] =	sst s5  }
0xe: {  	[smem:$0x3FB2] =	sst s6  }
0xf: {  	[smem:$0x3FB3] =	sst s7  }
0x10: {  	[smem:$0x3FB4] =	sst s8  }
0x11: {  	[smem:$0x3FB5] =	sst s9;
	s0 =	simm.s32 @!p0 $0x0  }
0x12: {  	s1 =	sld [smem:$0x3F9B];
	s0 =	simm.s32 @p0 $0x1  }
0x13: {  	[smem:$0x3FB6] =	sst s0;
	s0 =	simm.s32 @!p1 $0x0  }
0x14: {  	s2 =	sld [smem:$0x3F9A];
	s0 =	simm.s32 @p1 $0x1  }
0x15: {  	[smem:$0x3FB7] =	sst s0;
	s0 =	simm.s32 @!p2 $0x0  }
0x16: {  	s3 =	sld [smem:$0x3FDB];
	s0 =	simm.s32 @p2 $0x1  }
0x17: {  	s4 =	simm.s32 $0x1BF5;
	[smem:$0x3FB9] =	sst s0  }
0x18: {  	s0 =	sld [smem:$0x3F9C];
	_ =	swait.ge [sflag:s4], $0x0  }
0x19: {  	s7 =	sld [smem:$0x3F9D]  }
0x1a: {  	s8 =	sadd.s32 $0xFFFFE003, lr  }
0x1b: {  	s9 =	sadd.s32 $0xFFFFFEF7, lr;
	s5 =	simm.s32 $0xFFFFFFFF;
	p2 =	slt.u32 s8, $0xFFFFF086  }
0x1c: {  	p1 =	slt.u32 s9, $0xF7A;
	s5 =	simm.s32 @!p2 $0x0  }
0x1d: {  	s5 =	simm.s32 @p1 $0x1;
	p0 =	seq.s32 s7, s2  }
0x1e: {  	s7 =	smul.u32 @!p0 $0xF7A, s2;
	p2 =	seq.s32 @!p0 s5, $0x0  }
0x1f: {  	s9 =	smul.u32 $0xF7A, s1;
	s8 =	simm.s32 @!p0 $0x1BF5;
	p2 =	por !p2, p0  }
0x20: {  	[sflag:s8] =	ssyncset.s32 @!p0 $0xFFFFF086;
	s6 =	sadd.s32 @!p0 s3, s7;
	s7 =	simm.s32 @!p0 $0x108  }
0x21: {  	s3 =	sadd.s32 s3, s9;
	s6 =	sadd.s32 @!p0 $0x88, s6;
	s7 =	simm.s32 @p2 $0x1082  }
0x22: {  	[simem:s7], [sflag:s8] =	dma.local @!p0 [hbm:s6], $0xF7A  }
0x23: {  	s9 =	sor.u32 $0xD0000000, s2;
	s6 =	simm.s32 $0x108;
	_ =	swait.ge @!p0 [sflag:s8], $0x0  }
0x24: {  	s3 =	sadd.s32 $0x88, s3;
	s6 =	simm.s32 @!p1 $0x1082;
	[sflag:s4] =	ssyncset.s32 $0xFFFFF086  }
0x25: {  	[simem:s6], [sflag:s4] =	dma.local [hbm:s3], $0xF7A  }
0x26: {  	[smem:$0x3F9D] =	sst s1;
	(tag) =	ssettag s2;
	_ =	strace s9  }
0x27: {  	s1 =	sld [smem:$0x3FAD]  }
0x28: {  	s2 =	sld [smem:$0x3FAE]  }
0x29: {  	s4 =	sld [smem:$0x3FB0]  }
0x2a: {  	p0 =	seq.s32 s5, $0x0;
	s5 =	sld [smem:$0x3FB1]  }
0x2b: {  	s6 =	sld [smem:$0x3FB2]  }
0x2c: {  	s7 =	sld [smem:$0x3FB3]  }
0x2d: {  	s3 =	simm.s32 $0x108;
	s8 =	sld [smem:$0x3FB4]  }
0x2e: {  	s3 =	simm.s32 @!p0 $0x1082;
	s9 =	sld [smem:$0x3FB5]  }
0x2f: {  	lr =	sadd.s32 s0, s3;
	s0 =	sld [smem:$0x3FAC]  }
0x30: {  	s3 =	sld [smem:$0x3FAF]  }
0x31: {  	[smem:$0x3FB8] =	sst s10  }
0x32: {  	s10 =	sld [smem:$0x3FB6];
	_ =	sdelay $0x3  }
0x33: {  	p0 =	seq.s32 s10, $0x1;
	s10 =	sld [smem:$0x3FB8];
	_ =	sdelay $0x3  }
0x34: {  	[smem:$0x3FB8] =	sst s10  }
0x35: {  	s10 =	sld [smem:$0x3FB7];
	_ =	sdelay $0x3  }
0x36: {  	p1 =	seq.s32 s10, $0x1;
	s10 =	sld [smem:$0x3FB8];
	_ =	sdelay $0x3  }
0x37: {  	[smem:$0x3FB8] =	sst s10  }
0x38: {  	s10 =	sld [smem:$0x3FB9]  }
0x39: {  	_ = 	snop;
	(pc) =	sbr.ind lr, $3  }
0x3a: {  	_ = 	snop  }
0x3b: {  	_ = 	snop  }
0x3c: {  	p2 =	seq.s32 s10, $0x1;
	s10 =	sld [smem:$0x3FB8]  }
0x3d: {  	_ =	shalt  }
0x3e: {  	_ =	shalt  }
0x3f: {  	_ =	shalt  }
0x40: {  	_ =	shalt  }
0x41: {  	_ =	shalt  }
0x42: {  	_ =	shalt  }
0x43: {  	_ =	shalt  }
0x44: {  	_ =	shalt  }
0x45: {  	_ =	shalt  }
0x46: {  	_ =	shalt  }
0x47: {  	_ =	shalt  }
0x48: {  	_ =	shalt  }
0x49: {  	_ =	shalt  }
0x4a: {  	_ =	shalt  }
0x4b: {  	_ =	shalt  }
0x4c: {  	_ =	shalt  }
0x4d: {  	_ =	shalt  }
0x4e: {  	_ =	shalt  }
0x4f: {  	_ =	shalt  }
0x50: {  	_ =	shalt  }
0x51: {  	_ =	shalt  }
0x52: {  	_ =	shalt  }
0x53: {  	_ =	shalt  }
0x54: {  	_ =	shalt  }
0x55: {  	_ =	shalt  }
0x56: {  	_ =	shalt  }
0x57: {  	_ =	shalt  }
0x58: {  	_ =	shalt  }
0x59: {  	_ =	shalt  }
0x5a: {  	_ =	shalt  }
0x5b: {  	_ =	shalt  }
0x5c: {  	_ =	shalt  }
0x5d: {  	_ =	shalt  }
0x5e: {  	_ =	shalt  }
0x5f: {  	_ =	shalt  }
0x60: {  	_ =	shalt  }
0x61: {  	_ =	shalt  }
0x62: {  	_ =	shalt  }
0x63: {  	_ =	shalt  }
0x64: {  	_ =	shalt  }
0x65: {  	_ =	shalt  }
0x66: {  	_ =	shalt  }
0x67: {  	_ =	shalt  }
0x68: {  	_ =	shalt  }
0x69: {  	_ =	shalt  }
0x6a: {  	_ =	shalt  }
0x6b: {  	_ =	shalt  }
0x6c: {  	_ =	shalt  }
0x6d: {  	_ =	shalt  }
0x6e: {  	_ =	shalt  }
0x6f: {  	_ =	shalt  }
0x70: {  	_ =	shalt  }
0x71: {  	_ =	shalt  }
0x72: {  	_ =	shalt  }
0x73: {  	_ =	shalt  }
0x74: {  	_ =	shalt  }
0x75: {  	_ =	shalt  }
0x76: {  	_ =	shalt  }
0x77: {  	_ =	shalt  }
0x78: {  	_ =	shalt  }
0x79: {  	_ =	shalt  }
0x7a: {  	_ =	shalt  }
0x7b: {  	_ =	shalt  }
0x7c: {  	_ =	shalt  }
0x7d: {  	_ =	shalt  }
0x7e: {  	_ =	shalt  }
0x7f: {  	_ =	shalt  }
0x80: {  	_ =	shalt  }
0x81: {  	_ =	shalt  }
0x82: {  	_ =	shalt  }
0x83: {  	_ =	shalt  }
0x84: {  	_ =	shalt  }
0x85: {  	_ =	shalt  }
0x86: {  	_ =	shalt  }
0x87: {  	_ =	shalt  }
.Lfunc_end0:
.L_simem_size_0:
called_computation_lowered:
.L_overlay_start_0:
0x88: {  	s2 =	sld [smem:$0x3FD9]  }
0x89: {  	s3 =	sld [smem:$0x3FFE];
	_ =	sdelay $0x1  }
0x8a: {  	s1 =	srdreg.scid  }
0x8b: {  	s0 =	sand.u32 $0x1, s1  }
0x8c: {  	s17 =	sshll.u32 s0, $0xA;
	s2 =	sadd.s32 s3, s2  }
0x8d: {  	s2 =	sadd.s32 s2, s17  }
0x8e: {  	[smem:$0x3FC4] =	sst s2  }
0x8f: {  	_ = 	snop  }
0x90: {  	s2 =	sld [smem:$0x3FD0];
	(tm) =	ssettm $0x1  }
0x91: {  	s18 =	sld [smem:$0x3FFB];
	_ =	sdelay $0x3  }
0x92: {  	_ =	strace s18  }
0x93: {  	s3 =	sld [smem:$0x3FFC];
	_ =	sdelay $0x3  }
0x94: {  	_ =	strace s3  }
0x95: {  	s3 =	sld [smem:$0x3FFD];
	_ =	sdelay $0x3  }
0x96: {  	_ =	strace s3  }
0x97: {  	_ =	strace $0x8FFFFFFF  }
0x98: {  	s19 =	sld [smem:$0x3FDB];
	_ =	sdelay $0x1  }
0x99: {  	s4 =	simm.s32 $_scs_section_size  }
0x9a: {  	s5 =	simm.s32 $_size__tile_overlayer_lowered;
	s6 =	simm.s32 $_tile_overlayer_lowered  }
0x9b: {  	s22 =	simm.s32 $0x1BFF;
	s21 =	sshll.u32 s6, $0x1;
	s3 =	sadd.s32 s4, s19  }
0x9c: {  	s7 =	simm.s32 $0x0;
	s20 =	sshll.u32 s5, $0x1;
	s5 =	sadd.s32 s21, s3  }
0x9d: {  	[timem:s7], [sflag:s22] =	dma.local [hbm:s5], s20  }
0x9e: {  	_ =	swait.ge [sflag:s22], s20  }
0x9f: {  	s4 =	ssub.s32 $0x0, s20;
	[sflag:s22] =	ssyncset.done $0x0  }
0xa0: {  	[sflag:s22] =	ssyncadd.s32 s4;
	_ =	sdelay $0x1  }
0xa1: {  	s23 =	simm.s32 $0x1B8B  }
0xa2: {  	_ =	swait.ge [sflag:s23], $0x1  }
0xa3: {  	[sflag:s23] =	ssyncset.done $0x0  }
0xa4: {  	s25 =	simm.s32 $0x1B8E;
	s24 =	sld [smem:$0x3FFE];
	[sflag:s23] =	ssyncadd.s32 $0xFFFFFFFF  }
0xa5: {  	s26 =	simm.s32 $execute0_lowered;
	[smem:$0x3FD2] =	sst s25  }
0xa6: {  	s5 =	sshll.u32 s26, $0x1;
	_ =	strace $0x80000046;
	[dreg:$0x1] =	wrdreg $0xFFFFFFFF  }
0xa7: {  	s28 =	simm.s32 $_size_execute0_lowered;
	s3 =	sadd.s32 s3, s5;
	[dreg:$0x0] =	wrdreg $0x0  }
0xa8: {  	s5 =	sshll.u32 s28, $0x1;
	[dreg:$0x2] =	wrdreg s3  }
0xa9: {  	[dreg:$0x3] =	wrdreg s5  }
0xaa: {  	[dreg:$0x4] =	wrdreg $0xC0  }
0xab: {  	_ =	task [dreg:s7], $0x5FFFF  }
0xac: {  	[dreg:$0x1] =	wrdreg $0xFFFFFFFF  }
0xad: {  	[dreg:$0x0] =	wrdreg $0x60  }
0xae: {  	[dreg:$0x2] =	wrdreg s24  }
0xaf: {  	[dreg:$0x3] =	wrdreg s2  }
0xb0: {  	[dreg:$0x4] =	wrdreg $0x9  }
0xb1: {  	_ =	task.clear_ibuf [dreg:s7], $0x5FFFF;
	_ =	strace $0x90000046  }
0xb2: {  	s29 =	simm.s32 $0x9;
	_ =	strace $0x80000048  }
0xb3: {  	_ =	swait.ge [sflag:s29], $0x1  }
0xb4: {  	[sflag:s29] =	ssyncadd.s32 $0xFFFFFFFF  }
0xb5: {  	_ =	strace $0x90000048  }
0xb6: {  	_ =	sfence  }
0xb7: {  	s30 =	sld [smem:$0x0];
	_ =	sdelay $0x2  }
0xb8: {  	s31 =	sshll.u32 s1, $0xD;
	s1 =	sshrl.u32 s1, $0x2  }
0xb9: {  	s3 =	sand.u32 $0x4000, s31;
	s1 =	sadd.s32 s1, s30  }
0xba: {  	s0 =	sor.u32 s3, s0;
	s1 =	sshll.u32 s1, $0x11  }
0xbb: {  	s0 =	sor.u32 s1, s0  }
0xbc: {  	s0 =	sadd.s32 $0x8F2B, s0  }
0xbd: {  	[sflag:s0] =	ssyncadd.remote.s32 $0x1  }
0xbe: {  	_ =	sfence.sel $0xFFFF  }
0xbf: {  	[dreg:$0x0] =	wrdreg $0xFFFFFFFF;
	(pc) =	sbr.abs _section_cstart, $3  }
0xc0: {  	[dreg:$0x1] =	wrdreg $0xFFFFFFFF  }
0xc1: {  	_ =	task.clear_ibuf [dreg:s7], $0x2FFFF;
	_ =	strace $0x9FFFFFFF  }
0xc2: {  	(tm) =	ssettm $0x7FFFFFFF  }
0xc3: {  	_ =	shalt  }
tec
execute0_lowered:
.L_overlay_start_1:
0x0: {  	(tag) =	ssettag $0x1  }
0x1: {  	s3 =	rddreg [dreg:$0x0]  }
0x2: {  	s4 =	rddreg [dreg:$0x1]  }
0x3: {  	s0 =	rddreg [dreg:$0x2]  }
0x4: {  	s5 =	srdreg.scid;
	s1 =	stileid.u32  }
0x5: {  	s2 =	simm.s32 $0x0;
	s5 =	sand.u32 $0x1, s5;
	s6 =	sshll.u32 s1, $0x1  }
0x6: {  	[smem:$0x7FF] =	sst s2;
	s6 =	sor.u32 s5, s6;
	s5 =	ssub.s32 $0x2, s5  }
0x7: {  	_ =	strace $0x80000047;
	s7 =	sshll.u32 s6, $0x7;
	s8 =	sshrl.u32 s5, $0x1  }
0x8: {  	s6 =	sshll.u32 s6, $0x9;
	s3 =	sadd.s32 s7, s3;
	s5 =	ssub.s32 s5, s8  }
0x9: {  	s4 =	sadd.s32 s4, s6;
	s6 =	simm.s32 $0x1;
	s7 =	simm.s32 $0x400  }
0xa: {  	v0 =	vimm.f32 $0.0e+00;
	v1 =	vimm.f32 $1.000000000e+00;
	s8 =	simm.s32 $0x0;
	s3 =	sadd.s32 $0x1400, s3;
	s5 =	smax.u32 s5, $0x1  }
.LBB2_1:
0xb: {  	[tilespmem:s2], [sflag:$0x1] =	stream.linear.gather [hbm4b:s3+s2], $0x400, $0x38;
	[tilespmem:$0x1400] =	vst v63  }
0xc: {  	_ =	swait.ge [sflag:s6], $0x400  }
0xd: {  	[sflag:s6] =	ssyncset.done $0x0  }
0xe: {  	s9 =	simm.s32 $0x0;
	[sflag:s6] =	ssyncadd.s32 $0xFFFFFC00  }
.LBB2_2:
0xf: {  	p0 =	sne.s32 s9, $0x3FC0  }
.Ltmp0:
0x10: {  	_ = 	snop;
	(pc) =	sbr.rel @p0 .LBB2_2-.Ltmp0, $3  }
0x11: {  	_ =	sdelay $0x1  }
0x12: {  	s10 =	sshra.s32 s9, $0x2  }
0x13: {  	s9 =	sadd.s32 $0x40, s9;
	[tilespmem:s10+$0x400] =	vst v0  }
0x14: {  	s10 =	simm.s32 $0x0;
	s9 =	simm.s32 $0x40  }
.LBB2_4:
0x15: {  	p0 =	sne.s32 s9, $0xFC0;
	v2 =	vld [tilespmem:s10+$0x0];
	_ =	sdelay $0x3  }
.Ltmp1:
0x16: {  	(pc) =	sbr.rel @p0 .LBB2_4-.Ltmp1, $2  }
0x17: {  	_ =	sdelay $0x2  }
0x18: {  	s10 =	sshra.s32 s9, $0x2;
	s9 =	sadd.s32 $0x40, s9;
	[tilespmem:v2+s7+$0x0] =	vst.idx.add.f32.msk $0xffff, v1  }
0x19: {  	v2 =	vld [tilespmem:s10+$0x0];
	_ =	sdelay $0x5  }
0x1a: {  	s8 =	sadd.s32 $0x1, s8  }
0x1b: {  	p0 =	sne.s32 s8, s5  }
.Ltmp2:
0x1c: {  	[tilespmem:v2+s7+$0x0] =	vst.idx.add.f32.msk $0xffff, v1;
	(pc) =	sbr.rel @p0 .LBB2_1-.Ltmp2, $4  }
0x1d: {  	[hbm4b:s4+s2] =	stream.linear.scatter [tilespmem:s7], [sflag:$0x1], $0x1000, $0x38;
	[tilespmem:$0x1400] =	vst v63  }
0x1e: {  	_ =	swait.ge [sflag:s6], $0x1000  }
0x1f: {  	[sflag:s6] =	ssyncset.done $0x0  }
0x20: {  	[sflag:s6] =	ssyncadd.s32 $0xFFFFF000  }
0x21: {  	_ =	sfence.sel $0x180000  }
0x22: {  	[bflag:$0x0] =	sbarrier.arrive $0xFFFF  }
0x23: {  	p0 =	sne.s32 s1, $0x0;
	_ =	strace $0x90000047  }
0x24: {  	s0 =	sadd.s32 @!p0 $0x100000, s0;
	[bflag:$0x2] =	sbarrier.arrive $0xFFFF  }
0x25: {  	[sflag:s0] =	ssyncadd.tile.s32 @!p0 $0x1;
	_ =	shalt  }
.Lfunc_end2:
_tile_overlayer_lowered:
.L_overlay_start_2:
0x26: {  	(tag) =	ssettag $0x2  }
0x27: {  	s0 =	rddreg [dreg:$0x0];
	s2 =	stileid.u32  }
0x28: {  	s1 =	rddreg [dreg:$0x1];
	p0 =	sne.s32 s2, $0x0  }
0x29: {  	s3 =	rddreg [dreg:$0x2];
	[bflag:$0x3] =	sbarrier.arrive $0xFFFF;
	s2 =	simm.s32 @!p0 $0x1C02  }
0x2a: {  	[timem:s3], [sflag:s2] =	dma.local @!p0 [hbm:s0], s1  }
0x2b: {  	s0 =	simm.s32 @!p0 $0x2  }
0x2c: {  	_ =	swait.ge @!p0 [sflag:s0], s1  }
0x2d: {  	s1 =	ssub.s32 @!p0 $0x0, s1;
	[sflag:s0] =	ssyncset.done @!p0 $0x0  }
0x2e: {  	[sflag:s0] =	ssyncadd.s32 @!p0 s1  }
0x2f: {  	[bflag:$0x3] =	sbarrier.arrive $0xFFFF  }
0x30: {  	_ =	shalt  }

</sc_bundles>
